<compile_context>
chip_gen: v7x
topology: tpu7x:2x2x1
jax: 0.10.2.dev20260603
libtpu: 0.0.44.dev20260713+nightly
codegen_flags: <defaults>
</compile_context>

<pallas_src>
import functools

import jax
import jax.numpy as jnp
from jax import lax
from jax.experimental import pallas as pl
from jax.experimental.pallas import tpu as pltpu
from jax.experimental.pallas import tpu_sc as plsc

SEQ_LEN = 1024
EMBED_DIM = 16
VOCAB = 128
BLOCK = 128
DHALF = EMBED_DIM // 2
_NBLOCKS = SEQ_LEN // BLOCK

_L = plsc.get_sparse_core_info().num_lanes

_mesh = plsc.VectorSubcoreMesh(
    core_axis_name="c", subcore_axis_name="s", num_cores=1)


@functools.partial(
    pl.kernel,
    mesh=_mesh,
    out_type=jax.ShapeDtypeStruct((EMBED_DIM, SEQ_LEN), jnp.float32),
    compiler_params=pltpu.CompilerParams(needs_layout_passes=False),
    scratch_types=[
        pltpu.VMEM((BLOCK,), jnp.int32),
        pltpu.VMEM((DHALF, VOCAB), jnp.float32),
        pltpu.VMEM((DHALF, BLOCK), jnp.float32),
        pltpu.SemaphoreType.DMA,
        pltpu.SemaphoreType.DMA,
        pltpu.SemaphoreType.DMA,
    ],
)
def _embed_add(idx_hbm, tok_hbm, pos_hbm, out_hbm, idx_v, tok_v,
               out_v, idx_sem, tok_sem, pos_sem):
    wid = lax.axis_index("s") + lax.axis_index("c")
    blk = wid & (_NBLOCKS - 1)
    drow = pl.multiple_of((wid >> 3) * DHALF, DHALF)
    base = blk * BLOCK
    idx_cp = pltpu.async_copy(idx_hbm.at[pl.ds(base, BLOCK)], idx_v, idx_sem)
    tok_cp = pltpu.async_copy(tok_hbm.at[pl.ds(drow, DHALF)], tok_v, tok_sem)
    pos_cp = pltpu.async_copy(
        pos_hbm.at[pl.ds(drow, DHALF), pl.ds(base, BLOCK)], out_v, pos_sem)
    idx_cp.wait()
    tok_cp.wait()
    pos_cp.wait()

    def body(g, carry):
        off = g * _L
        tok_idx = idx_v[pl.ds(off, _L)]
        for d in range(DHALF):
            dvec = jnp.full((_L,), d, jnp.int32)
            vals = plsc.load_gather(tok_v, [dvec, tok_idx])
            plsc.addupdate(out_v.at[d, pl.ds(off, _L)], vals)
        return carry

    lax.fori_loop(0, BLOCK // _L, body, 0)
    pltpu.sync_copy(
        out_v, out_hbm.at[pl.ds(drow, DHALF), pl.ds(base, BLOCK)])


def kernel(encoded, token_table, pos_table):
    out_t = _embed_add(encoded.astype(jnp.int32), token_table.T, pos_table.T)
    return out_t.T

# --- scband reference (transcript-rebuilt; emitter-appended) ---
"""Pipeline reference for scband-my-decoder-module-43576738185736 (READ-ONLY COPY).

The authoritative reference and input builder live on the scoring server;
editing this copy changes nothing except your own understanding.
"""

import jax, jax.numpy as jnp
import numpy as np

VOCAB_SIZE = 128
HALF_DIM = 8
EMBED_DIM = 16
MAX_POS = 1024
SEQ_LEN = 1024


def _sinusoidal_table():
    pos_matrix = jnp.tile(jnp.arange(MAX_POS, dtype=jnp.float32).reshape(MAX_POS, 1), (1, HALF_DIM))
    index_exponent_matrix = 2.0 * jnp.tile(jnp.arange(HALF_DIM, dtype=jnp.float32), (MAX_POS, 1)) / EMBED_DIM
    index_matrix = jnp.power(10000.0, index_exponent_matrix)
    weights = jnp.zeros((MAX_POS, EMBED_DIM), dtype=jnp.float32)
    weights = weights.at[:, 0::2].set(jnp.sin(pos_matrix * index_matrix))
    weights = weights.at[:, 1::2].set(jnp.cos(pos_matrix * index_matrix))
    return weights


def setup_inputs(seed: int = 0) -> dict:
    key = jax.random.key(seed)
    k1, k2 = jax.random.split(key)
    encoded = jax.random.randint(k1, (SEQ_LEN,), 0, VOCAB_SIZE, dtype=jnp.int64 if jax.config.jax_enable_x64 else jnp.int32)
    token_table = jax.random.normal(k2, (VOCAB_SIZE, EMBED_DIM), dtype=jnp.float32)
    pos_table = _sinusoidal_table()
    return {"encoded": encoded, "token_table": token_table, "pos_table": pos_table}


def reference(encoded, token_table, pos_table):
    # token embedding lookup
    encoded_token_embedded = jnp.take(token_table, encoded, axis=0)
    # positional embedding: indices are arange(len(input)) regardless of token values
    positions = jnp.arange(encoded.shape[0])
    encoded_pos_embedded = jnp.take(pos_table, positions, axis=0)
    return encoded_token_embedded + encoded_pos_embedded

if __name__ == "__main__":
    import jax
    _d = setup_inputs()
    print(jax.jit(kernel)(*tuple(_d.values())))

</pallas_src>

<mosaic_0001>
#map = affine_map<(d0, d1) -> (0)>
#map1 = affine_map<(d0, d1) -> (0, 0)>
module attributes {stable_mosaic.version = 14 : i64} {
  func.func @_embed_add(%arg0: i32, %arg1: i32, %arg2: memref<1024xi32, #tpu.memory_space<hbm>>, %arg3: memref<16x128xf32, #tpu.memory_space<hbm>>, %arg4: memref<16x1024xf32, #tpu.memory_space<hbm>>, %arg5: memref<16x1024xf32, #tpu.memory_space<hbm>>, %arg6: memref<128xi32, #tpu.memory_space<vmem>>, %arg7: memref<8x128xf32, #tpu.memory_space<vmem>>, %arg8: memref<8x128xf32, #tpu.memory_space<vmem>>, %arg9: memref<!tpu.dma_semaphore, #tpu.memory_space<semaphore_mem>>, %arg10: memref<!tpu.dma_semaphore, #tpu.memory_space<semaphore_mem>>, %arg11: memref<!tpu.dma_semaphore, #tpu.memory_space<semaphore_mem>>) attributes {dimension_semantics = [#tpu.dimension_semantics<core_parallel>, #tpu.dimension_semantics<subcore_parallel>], iteration_bounds = array<i64: 1, 16>, scalar_prefetch = 0 : i64, scratch_operands = 6 : i64, tpu.core_type = #tpu.core_type<sc_vector_subcore>, window_params = [{transform_indices = #map}, {transform_indices = #map1}, {transform_indices = #map1}, {transform_indices = #map1}]} {
    %add3A = arith.addi %arg1, %arg0 : i32
    %and3A = arith.constant 7 : i32
    %and3A_0 = arith.andi %add3A, %and3A : i32
    %shift_right_arithmetic3A = arith.constant 3 : i32
    %shift_right_arithmetic3A_1 = arith.shrsi %add3A, %shift_right_arithmetic3A : i32
    %mul3A = arith.constant 8 : i32
    %mul3A_2 = arith.muli %shift_right_arithmetic3A_1, %mul3A : i32
    %multiple_of3A = tpu.assume_multiple %mul3A_2, 8 : i32
    %mul3A_3 = arith.constant 128 : i32
    %mul3A_4 = arith.muli %and3A_0, %mul3A_3 : i32
    %dma_start3A = tpu.memref_slice %arg2[%mul3A_4] : memref<1024xi32, #tpu.memory_space<hbm>> -> memref<128xi32, #tpu.memory_space<hbm>>
    %dma_start3A_5 = tpu.memref_slice %arg2[%mul3A_4] : memref<1024xi32, #tpu.memory_space<hbm>> -> memref<128xi32, #tpu.memory_space<hbm>>
    tpu.enqueue_dma source(%dma_start3A_5 : memref<128xi32, #tpu.memory_space<hbm>>) target(%arg6 : memref<128xi32, #tpu.memory_space<vmem>>) target_semaphore(%arg9 : memref<!tpu.dma_semaphore, #tpu.memory_space<semaphore_mem>>)
    %dma_start3A_6 = arith.constant 0 : i32
    %dma_start3A_7 = tpu.memref_slice %arg3[%multiple_of3A, %dma_start3A_6] : memref<16x128xf32, #tpu.memory_space<hbm>> -> memref<8x128xf32, #tpu.memory_space<hbm>>
    %dma_start3A_8 = arith.constant 0 : i32
    %dma_start3A_9 = tpu.memref_slice %arg3[%multiple_of3A, %dma_start3A_8] : memref<16x128xf32, #tpu.memory_space<hbm>> -> memref<8x128xf32, #tpu.memory_space<hbm>>
    tpu.enqueue_dma source(%dma_start3A_9 : memref<8x128xf32, #tpu.memory_space<hbm>>) target(%arg7 : memref<8x128xf32, #tpu.memory_space<vmem>>) target_semaphore(%arg10 : memref<!tpu.dma_semaphore, #tpu.memory_space<semaphore_mem>>)
    %dma_start3A_10 = tpu.memref_slice %arg4[%multiple_of3A, %mul3A_4] : memref<16x1024xf32, #tpu.memory_space<hbm>> -> memref<8x128xf32, #tpu.memory_space<hbm>>
    %dma_start3A_11 = tpu.memref_slice %arg4[%multiple_of3A, %mul3A_4] : memref<16x1024xf32, #tpu.memory_space<hbm>> -> memref<8x128xf32, #tpu.memory_space<hbm>>
    tpu.enqueue_dma source(%dma_start3A_11 : memref<8x128xf32, #tpu.memory_space<hbm>>) target(%arg8 : memref<8x128xf32, #tpu.memory_space<vmem>>) target_semaphore(%arg11 : memref<!tpu.dma_semaphore, #tpu.memory_space<semaphore_mem>>)
    %dma_wait3A = tpu.memref_slice %arg2[%mul3A_4] : memref<1024xi32, #tpu.memory_space<hbm>> -> memref<128xi32, #tpu.memory_space<hbm>>
    %dma_wait3A_12 = tpu.memref_slice %arg2[%mul3A_4] : memref<1024xi32, #tpu.memory_space<hbm>> -> memref<128xi32, #tpu.memory_space<hbm>>
    tpu.wait_dma2 semaphore(%arg9 : memref<!tpu.dma_semaphore, #tpu.memory_space<semaphore_mem>>) src(%dma_wait3A_12 : memref<128xi32, #tpu.memory_space<hbm>>) dst(%arg6 : memref<128xi32, #tpu.memory_space<vmem>>)
    %dma_wait3A_13 = arith.constant 0 : i32
    %dma_wait3A_14 = tpu.memref_slice %arg3[%multiple_of3A, %dma_wait3A_13] : memref<16x128xf32, #tpu.memory_space<hbm>> -> memref<8x128xf32, #tpu.memory_space<hbm>>
    %dma_wait3A_15 = arith.constant 0 : i32
    %dma_wait3A_16 = tpu.memref_slice %arg3[%multiple_of3A, %dma_wait3A_15] : memref<16x128xf32, #tpu.memory_space<hbm>> -> memref<8x128xf32, #tpu.memory_space<hbm>>
    tpu.wait_dma2 semaphore(%arg10 : memref<!tpu.dma_semaphore, #tpu.memory_space<semaphore_mem>>) src(%dma_wait3A_16 : memref<8x128xf32, #tpu.memory_space<hbm>>) dst(%arg7 : memref<8x128xf32, #tpu.memory_space<vmem>>)
    %dma_wait3A_17 = tpu.memref_slice %arg4[%multiple_of3A, %mul3A_4] : memref<16x1024xf32, #tpu.memory_space<hbm>> -> memref<8x128xf32, #tpu.memory_space<hbm>>
    %dma_wait3A_18 = tpu.memref_slice %arg4[%multiple_of3A, %mul3A_4] : memref<16x1024xf32, #tpu.memory_space<hbm>> -> memref<8x128xf32, #tpu.memory_space<hbm>>
    tpu.wait_dma2 semaphore(%arg11 : memref<!tpu.dma_semaphore, #tpu.memory_space<semaphore_mem>>) src(%dma_wait3A_18 : memref<8x128xf32, #tpu.memory_space<hbm>>) dst(%arg8 : memref<8x128xf32, #tpu.memory_space<vmem>>)
    %scan3A = arith.constant 0 : i32
    %scan3A_19 = arith.constant 0 : i32
    %scan3A_20 = arith.constant 8 : i32
    %scan3A_21 = arith.addi %scan3A_19, %scan3A_20 : i32
    %scan3A_22 = arith.constant 1 : i32
    scf.for %scan3A_24 = %scan3A_19 to %scan3A_21 step %scan3A_22  : i32 {
      %mul3A_25 = arith.constant 16 : i32
      %mul3A_26 = arith.muli %scan3A_24, %mul3A_25 : i32
      %get3A = arith.index_cast %mul3A_26 : i32 to index
      %get3A_27 = tpu.vector_load %arg6[%get3A] {strides = array<i32>} : memref<128xi32, #tpu.memory_space<vmem>>, vector<16xi32>,
      %broadcast_in_dim3A = arith.constant 0 : i32
      %broadcast_in_dim3A_28 = vector.broadcast %broadcast_in_dim3A : i32 to vector<16xi32>
      %gather3A = tpu.vector_load_idx %arg7[%broadcast_in_dim3A_28, %get3A_27] : memref<8x128xf32, #tpu.memory_space<vmem>>[vector<16xi32>, vector<16xi32>], vector<16xf32>,
      %swap3A = arith.constant 0 : i32
      %swap3A_29 = arith.index_cast %swap3A : i32 to index
      %swap3A_30 = arith.index_cast %mul3A_26 : i32 to index
      %swap3A_31 = tpu.vector_load %arg8[%swap3A_29, %swap3A_30] {strides = array<i32>} : memref<8x128xf32, #tpu.memory_space<vmem>>, vector<16xf32>,
      tpu.vector_store %arg8[%swap3A_29, %swap3A_30], %gather3A {add = true, strides = array<i32>} : memref<8x128xf32, #tpu.memory_space<vmem>>, vector<16xf32>,
      %broadcast_in_dim3A_32 = arith.constant 1 : i32
      %broadcast_in_dim3A_33 = vector.broadcast %broadcast_in_dim3A_32 : i32 to vector<16xi32>
      %gather3A_34 = tpu.vector_load_idx %arg7[%broadcast_in_dim3A_33, %get3A_27] : memref<8x128xf32, #tpu.memory_space<vmem>>[vector<16xi32>, vector<16xi32>], vector<16xf32>,
      %swap3A_35 = arith.constant 1 : i32
      %swap3A_36 = arith.index_cast %swap3A_35 : i32 to index
      %swap3A_37 = arith.index_cast %mul3A_26 : i32 to index
      %swap3A_38 = tpu.vector_load %arg8[%swap3A_36, %swap3A_37] {strides = array<i32>} : memref<8x128xf32, #tpu.memory_space<vmem>>, vector<16xf32>,
      tpu.vector_store %arg8[%swap3A_36, %swap3A_37], %gather3A_34 {add = true, strides = array<i32>} : memref<8x128xf32, #tpu.memory_space<vmem>>, vector<16xf32>,
      %broadcast_in_dim3A_39 = arith.constant 2 : i32
      %broadcast_in_dim3A_40 = vector.broadcast %broadcast_in_dim3A_39 : i32 to vector<16xi32>
      %gather3A_41 = tpu.vector_load_idx %arg7[%broadcast_in_dim3A_40, %get3A_27] : memref<8x128xf32, #tpu.memory_space<vmem>>[vector<16xi32>, vector<16xi32>], vector<16xf32>,
      %swap3A_42 = arith.constant 2 : i32
      %swap3A_43 = arith.index_cast %swap3A_42 : i32 to index
      %swap3A_44 = arith.index_cast %mul3A_26 : i32 to index
      %swap3A_45 = tpu.vector_load %arg8[%swap3A_43, %swap3A_44] {strides = array<i32>} : memref<8x128xf32, #tpu.memory_space<vmem>>, vector<16xf32>,
      tpu.vector_store %arg8[%swap3A_43, %swap3A_44], %gather3A_41 {add = true, strides = array<i32>} : memref<8x128xf32, #tpu.memory_space<vmem>>, vector<16xf32>,
      %broadcast_in_dim3A_46 = arith.constant 3 : i32
      %broadcast_in_dim3A_47 = vector.broadcast %broadcast_in_dim3A_46 : i32 to vector<16xi32>
      %gather3A_48 = tpu.vector_load_idx %arg7[%broadcast_in_dim3A_47, %get3A_27] : memref<8x128xf32, #tpu.memory_space<vmem>>[vector<16xi32>, vector<16xi32>], vector<16xf32>,
      %swap3A_49 = arith.constant 3 : i32
      %swap3A_50 = arith.index_cast %swap3A_49 : i32 to index
      %swap3A_51 = arith.index_cast %mul3A_26 : i32 to index
      %swap3A_52 = tpu.vector_load %arg8[%swap3A_50, %swap3A_51] {strides = array<i32>} : memref<8x128xf32, #tpu.memory_space<vmem>>, vector<16xf32>,
      tpu.vector_store %arg8[%swap3A_50, %swap3A_51], %gather3A_48 {add = true, strides = array<i32>} : memref<8x128xf32, #tpu.memory_space<vmem>>, vector<16xf32>,
      %broadcast_in_dim3A_53 = arith.constant 4 : i32
      %broadcast_in_dim3A_54 = vector.broadcast %broadcast_in_dim3A_53 : i32 to vector<16xi32>
      %gather3A_55 = tpu.vector_load_idx %arg7[%broadcast_in_dim3A_54, %get3A_27] : memref<8x128xf32, #tpu.memory_space<vmem>>[vector<16xi32>, vector<16xi32>], vector<16xf32>,
      %swap3A_56 = arith.constant 4 : i32
      %swap3A_57 = arith.index_cast %swap3A_56 : i32 to index
      %swap3A_58 = arith.index_cast %mul3A_26 : i32 to index
      %swap3A_59 = tpu.vector_load %arg8[%swap3A_57, %swap3A_58] {strides = array<i32>} : memref<8x128xf32, #tpu.memory_space<vmem>>, vector<16xf32>,
      tpu.vector_store %arg8[%swap3A_57, %swap3A_58], %gather3A_55 {add = true, strides = array<i32>} : memref<8x128xf32, #tpu.memory_space<vmem>>, vector<16xf32>,
      %broadcast_in_dim3A_60 = arith.constant 5 : i32
      %broadcast_in_dim3A_61 = vector.broadcast %broadcast_in_dim3A_60 : i32 to vector<16xi32>
      %gather3A_62 = tpu.vector_load_idx %arg7[%broadcast_in_dim3A_61, %get3A_27] : memref<8x128xf32, #tpu.memory_space<vmem>>[vector<16xi32>, vector<16xi32>], vector<16xf32>,
      %swap3A_63 = arith.constant 5 : i32
      %swap3A_64 = arith.index_cast %swap3A_63 : i32 to index
      %swap3A_65 = arith.index_cast %mul3A_26 : i32 to index
      %swap3A_66 = tpu.vector_load %arg8[%swap3A_64, %swap3A_65] {strides = array<i32>} : memref<8x128xf32, #tpu.memory_space<vmem>>, vector<16xf32>,
      tpu.vector_store %arg8[%swap3A_64, %swap3A_65], %gather3A_62 {add = true, strides = array<i32>} : memref<8x128xf32, #tpu.memory_space<vmem>>, vector<16xf32>,
      %broadcast_in_dim3A_67 = arith.constant 6 : i32
      %broadcast_in_dim3A_68 = vector.broadcast %broadcast_in_dim3A_67 : i32 to vector<16xi32>
      %gather3A_69 = tpu.vector_load_idx %arg7[%broadcast_in_dim3A_68, %get3A_27] : memref<8x128xf32, #tpu.memory_space<vmem>>[vector<16xi32>, vector<16xi32>], vector<16xf32>,
      %swap3A_70 = arith.constant 6 : i32
      %swap3A_71 = arith.index_cast %swap3A_70 : i32 to index
      %swap3A_72 = arith.index_cast %mul3A_26 : i32 to index
      %swap3A_73 = tpu.vector_load %arg8[%swap3A_71, %swap3A_72] {strides = array<i32>} : memref<8x128xf32, #tpu.memory_space<vmem>>, vector<16xf32>,
      tpu.vector_store %arg8[%swap3A_71, %swap3A_72], %gather3A_69 {add = true, strides = array<i32>} : memref<8x128xf32, #tpu.memory_space<vmem>>, vector<16xf32>,
      %broadcast_in_dim3A_74 = arith.constant 7 : i32
      %broadcast_in_dim3A_75 = vector.broadcast %broadcast_in_dim3A_74 : i32 to vector<16xi32>
      %gather3A_76 = tpu.vector_load_idx %arg7[%broadcast_in_dim3A_75, %get3A_27] : memref<8x128xf32, #tpu.memory_space<vmem>>[vector<16xi32>, vector<16xi32>], vector<16xf32>,
      %swap3A_77 = arith.constant 7 : i32
      %swap3A_78 = arith.index_cast %swap3A_77 : i32 to index
      %swap3A_79 = arith.index_cast %mul3A_26 : i32 to index
      %swap3A_80 = tpu.vector_load %arg8[%swap3A_78, %swap3A_79] {strides = array<i32>} : memref<8x128xf32, #tpu.memory_space<vmem>>, vector<16xf32>,
      tpu.vector_store %arg8[%swap3A_78, %swap3A_79], %gather3A_76 {add = true, strides = array<i32>} : memref<8x128xf32, #tpu.memory_space<vmem>>, vector<16xf32>,
    }
    %scan3A_23 = arith.constant 8 : i32
    "tpu.region"() ({
      %run_scoped3A = tpu.sem_alloc : memref<!tpu.dma_semaphore, #tpu.memory_space<semaphore_mem>>
      %dma_start3A_24 = tpu.memref_slice %arg5[%multiple_of3A, %mul3A_4] : memref<16x1024xf32, #tpu.memory_space<hbm>> -> memref<8x128xf32, #tpu.memory_space<hbm>>
      %dma_start3A_25 = tpu.memref_slice %arg5[%multiple_of3A, %mul3A_4] : memref<16x1024xf32, #tpu.memory_space<hbm>> -> memref<8x128xf32, #tpu.memory_space<hbm>>
      tpu.enqueue_dma source(%arg8 : memref<8x128xf32, #tpu.memory_space<vmem>>) target(%dma_start3A_25 : memref<8x128xf32, #tpu.memory_space<hbm>>) target_semaphore(%run_scoped3A : memref<!tpu.dma_semaphore, #tpu.memory_space<semaphore_mem>>)
      %dma_wait3A_26 = tpu.memref_slice %arg5[%multiple_of3A, %mul3A_4] : memref<16x1024xf32, #tpu.memory_space<hbm>> -> memref<8x128xf32, #tpu.memory_space<hbm>>
      %dma_wait3A_27 = tpu.memref_slice %arg5[%multiple_of3A, %mul3A_4] : memref<16x1024xf32, #tpu.memory_space<hbm>> -> memref<8x128xf32, #tpu.memory_space<hbm>>
      tpu.wait_dma2 semaphore(%run_scoped3A : memref<!tpu.dma_semaphore, #tpu.memory_space<semaphore_mem>>) src(%arg8 : memref<8x128xf32, #tpu.memory_space<vmem>>) dst(%dma_wait3A_27 : memref<8x128xf32, #tpu.memory_space<hbm>>)
      tpu.yield
    }) : () -> ()
    return
  }
}

</mosaic_0001>

<sc_bundles>
// kernel: kernel.3.cloned.1.call-start
scs
__scs_entry_jumppad:
0x0: {  	(pc) =	sbr.rel $0x88, $3  }
0x1: {  	(tag) =	ssettag $0x0;
	lr =	simm.s32 $0x1  }
0x2: {  	[smem:$0x3F9E] =	sst lr;
	_ =	strace $0xD0000000  }
0x3: {  	_ = 	snop  }
0x4: {  	_ = 	snop  }
0x5: {  	_ = 	snop  }
0x6: {  	_ = 	snop  }
0x7: {  	_ = 	snop  }
__scs_overlays_trampoline_lowered:
0x8: {  	[smem:$0x3FAD] =	sst s0  }
0x9: {  	[smem:$0x3FAE] =	sst s1  }
0xa: {  	[smem:$0x3FAF] =	sst s2  }
0xb: {  	[smem:$0x3FB0] =	sst s3  }
0xc: {  	[smem:$0x3FB1] =	sst s4  }
0xd: {  	[smem:$0x3FB2] =	sst s5  }
0xe: {  	[smem:$0x3FB3] =	sst s6  }
0xf: {  	[smem:$0x3FB4] =	sst s7  }
0x10: {  	[smem:$0x3FB5] =	sst s8  }
0x11: {  	[smem:$0x3FB6] =	sst s9;
	s0 =	simm.s32 @!p0 $0x0  }
0x12: {  	s1 =	sld [smem:$0x3F9C];
	s0 =	simm.s32 @p0 $0x1  }
0x13: {  	[smem:$0x3FB7] =	sst s0;
	s0 =	simm.s32 @!p1 $0x0  }
0x14: {  	s2 =	sld [smem:$0x3F9B];
	s0 =	simm.s32 @p1 $0x1  }
0x15: {  	[smem:$0x3FB8] =	sst s0;
	s0 =	simm.s32 @!p2 $0x0  }
0x16: {  	s3 =	sld [smem:$0x3FDB];
	s0 =	simm.s32 @p2 $0x1  }
0x17: {  	s4 =	simm.s32 $0x1BF5;
	[smem:$0x3FBA] =	sst s0  }
0x18: {  	s0 =	sld [smem:$0x3F9D];
	_ =	swait.ge [sflag:s4], $0x0  }
0x19: {  	s7 =	sld [smem:$0x3F9E]  }
0x1a: {  	s8 =	sadd.s32 $0xFFFFE003, lr  }
0x1b: {  	s9 =	sadd.s32 $0xFFFFFEF7, lr;
	s5 =	simm.s32 $0xFFFFFFFF;
	p2 =	slt.u32 s8, $0xFFFFF086  }
0x1c: {  	p1 =	slt.u32 s9, $0xF7A;
	s5 =	simm.s32 @!p2 $0x0  }
0x1d: {  	s5 =	simm.s32 @p1 $0x1;
	p0 =	seq.s32 s7, s2  }
0x1e: {  	s7 =	smul.u32 @!p0 $0xF7A, s2;
	p2 =	seq.s32 @!p0 s5, $0x0  }
0x1f: {  	s9 =	smul.u32 $0xF7A, s1;
	s8 =	simm.s32 @!p0 $0x1BF5;
	p2 =	por !p2, p0  }
0x20: {  	[sflag:s8] =	ssyncset.s32 @!p0 $0xFFFFF086;
	s6 =	sadd.s32 @!p0 s3, s7;
	s7 =	simm.s32 @!p0 $0x108  }
0x21: {  	s3 =	sadd.s32 s3, s9;
	s6 =	sadd.s32 @!p0 $0x88, s6;
	s7 =	simm.s32 @p2 $0x1082  }
0x22: {  	[simem:s7], [sflag:s8] =	dma.local @!p0 [hbm:s6], $0xF7A  }
0x23: {  	s9 =	sor.u32 $0xD0000000, s2;
	s6 =	simm.s32 $0x108;
	_ =	swait.ge @!p0 [sflag:s8], $0x0  }
0x24: {  	s3 =	sadd.s32 $0x88, s3;
	s6 =	simm.s32 @!p1 $0x1082;
	[sflag:s4] =	ssyncset.s32 $0xFFFFF086  }
0x25: {  	[simem:s6], [sflag:s4] =	dma.local [hbm:s3], $0xF7A  }
0x26: {  	[smem:$0x3F9E] =	sst s1;
	(tag) =	ssettag s2;
	_ =	strace s9  }
0x27: {  	s1 =	sld [smem:$0x3FAE]  }
0x28: {  	s2 =	sld [smem:$0x3FAF]  }
0x29: {  	s4 =	sld [smem:$0x3FB1]  }
0x2a: {  	p0 =	seq.s32 s5, $0x0;
	s5 =	sld [smem:$0x3FB2]  }
0x2b: {  	s6 =	sld [smem:$0x3FB3]  }
0x2c: {  	s7 =	sld [smem:$0x3FB4]  }
0x2d: {  	s3 =	simm.s32 $0x108;
	s8 =	sld [smem:$0x3FB5]  }
0x2e: {  	s3 =	simm.s32 @!p0 $0x1082;
	s9 =	sld [smem:$0x3FB6]  }
0x2f: {  	lr =	sadd.s32 s0, s3;
	s0 =	sld [smem:$0x3FAD]  }
0x30: {  	s3 =	sld [smem:$0x3FB0]  }
0x31: {  	[smem:$0x3FB9] =	sst s10  }
0x32: {  	s10 =	sld [smem:$0x3FB7];
	_ =	sdelay $0x3  }
0x33: {  	p0 =	seq.s32 s10, $0x1;
	s10 =	sld [smem:$0x3FB9];
	_ =	sdelay $0x3  }
0x34: {  	[smem:$0x3FB9] =	sst s10  }
0x35: {  	s10 =	sld [smem:$0x3FB8];
	_ =	sdelay $0x3  }
0x36: {  	p1 =	seq.s32 s10, $0x1;
	s10 =	sld [smem:$0x3FB9];
	_ =	sdelay $0x3  }
0x37: {  	[smem:$0x3FB9] =	sst s10  }
0x38: {  	s10 =	sld [smem:$0x3FBA]  }
0x39: {  	_ = 	snop;
	(pc) =	sbr.ind lr, $3  }
0x3a: {  	_ = 	snop  }
0x3b: {  	_ = 	snop  }
0x3c: {  	p2 =	seq.s32 s10, $0x1;
	s10 =	sld [smem:$0x3FB9]  }
0x3d: {  	_ =	shalt  }
0x3e: {  	_ =	shalt  }
0x3f: {  	_ =	shalt  }
0x40: {  	_ =	shalt  }
0x41: {  	_ =	shalt  }
0x42: {  	_ =	shalt  }
0x43: {  	_ =	shalt  }
0x44: {  	_ =	shalt  }
0x45: {  	_ =	shalt  }
0x46: {  	_ =	shalt  }
0x47: {  	_ =	shalt  }
0x48: {  	_ =	shalt  }
0x49: {  	_ =	shalt  }
0x4a: {  	_ =	shalt  }
0x4b: {  	_ =	shalt  }
0x4c: {  	_ =	shalt  }
0x4d: {  	_ =	shalt  }
0x4e: {  	_ =	shalt  }
0x4f: {  	_ =	shalt  }
0x50: {  	_ =	shalt  }
0x51: {  	_ =	shalt  }
0x52: {  	_ =	shalt  }
0x53: {  	_ =	shalt  }
0x54: {  	_ =	shalt  }
0x55: {  	_ =	shalt  }
0x56: {  	_ =	shalt  }
0x57: {  	_ =	shalt  }
0x58: {  	_ =	shalt  }
0x59: {  	_ =	shalt  }
0x5a: {  	_ =	shalt  }
0x5b: {  	_ =	shalt  }
0x5c: {  	_ =	shalt  }
0x5d: {  	_ =	shalt  }
0x5e: {  	_ =	shalt  }
0x5f: {  	_ =	shalt  }
0x60: {  	_ =	shalt  }
0x61: {  	_ =	shalt  }
0x62: {  	_ =	shalt  }
0x63: {  	_ =	shalt  }
0x64: {  	_ =	shalt  }
0x65: {  	_ =	shalt  }
0x66: {  	_ =	shalt  }
0x67: {  	_ =	shalt  }
0x68: {  	_ =	shalt  }
0x69: {  	_ =	shalt  }
0x6a: {  	_ =	shalt  }
0x6b: {  	_ =	shalt  }
0x6c: {  	_ =	shalt  }
0x6d: {  	_ =	shalt  }
0x6e: {  	_ =	shalt  }
0x6f: {  	_ =	shalt  }
0x70: {  	_ =	shalt  }
0x71: {  	_ =	shalt  }
0x72: {  	_ =	shalt  }
0x73: {  	_ =	shalt  }
0x74: {  	_ =	shalt  }
0x75: {  	_ =	shalt  }
0x76: {  	_ =	shalt  }
0x77: {  	_ =	shalt  }
0x78: {  	_ =	shalt  }
0x79: {  	_ =	shalt  }
0x7a: {  	_ =	shalt  }
0x7b: {  	_ =	shalt  }
0x7c: {  	_ =	shalt  }
0x7d: {  	_ =	shalt  }
0x7e: {  	_ =	shalt  }
0x7f: {  	_ =	shalt  }
0x80: {  	_ =	shalt  }
0x81: {  	_ =	shalt  }
0x82: {  	_ =	shalt  }
0x83: {  	_ =	shalt  }
0x84: {  	_ =	shalt  }
0x85: {  	_ =	shalt  }
0x86: {  	_ =	shalt  }
0x87: {  	_ =	shalt  }
.Lfunc_end0:
.L_simem_size_0:
called_computation_lowered:
.L_overlay_start_0:
0x88: {  	s0 =	sld [smem:$0x3FD9]  }
0x89: {  	s1 =	sld [smem:$0x3FFE];
	_ =	sdelay $0x3  }
0x8a: {  	s0 =	sadd.s32 s1, s0  }
0x8b: {  	[smem:$0x3FC5] =	sst s0  }
0x8c: {  	_ = 	snop  }
0x8d: {  	s0 =	sld [smem:$0x3FC9]  }
0x8e: {  	s17 =	sld [smem:$0x3FC8]  }
0x8f: {  	s2 =	sld [smem:$0x3FC7]  }
0x90: {  	s3 =	sld [smem:$0x3FD0];
	(tm) =	ssettm $0x1  }
0x91: {  	s4 =	sld [smem:$0x3FFB];
	_ =	sdelay $0x3  }
0x92: {  	_ =	strace s4  }
0x93: {  	s4 =	sld [smem:$0x3FFC];
	_ =	sdelay $0x3  }
0x94: {  	_ =	strace s4  }
0x95: {  	s4 =	sld [smem:$0x3FFD];
	_ =	sdelay $0x3  }
0x96: {  	_ =	strace s4  }
0x97: {  	_ =	strace $0x8FFFFFFF  }
0x98: {  	s18 =	sld [smem:$0x3FDB];
	_ =	sdelay $0x1  }
0x99: {  	s5 =	simm.s32 $_scs_section_size  }
0x9a: {  	s6 =	simm.s32 $_size__tile_overlayer_lowered;
	s7 =	simm.s32 $_tile_overlayer_lowered  }
0x9b: {  	s21 =	simm.s32 $0x1BFF;
	s20 =	sshll.u32 s7, $0x1;
	s4 =	sadd.s32 s5, s18  }
0x9c: {  	s8 =	simm.s32 $0x0;
	s19 =	sshll.u32 s6, $0x1;
	s6 =	sadd.s32 s20, s4  }
0x9d: {  	[timem:s8], [sflag:s21] =	dma.local [hbm:s6], s19  }
0x9e: {  	_ =	swait.ge [sflag:s21], s19  }
0x9f: {  	s5 =	ssub.s32 $0x0, s19;
	[sflag:s21] =	ssyncset.done $0x0  }
0xa0: {  	[sflag:s21] =	ssyncadd.s32 s5;
	_ =	sdelay $0x1  }
0xa1: {  	s22 =	simm.s32 $0x1B8B  }
0xa2: {  	_ =	swait.ge [sflag:s22], $0x1  }
0xa3: {  	[sflag:s22] =	ssyncset.done $0x0  }
0xa4: {  	s23 =	simm.s32 $0x1B8E;
	[sflag:s22] =	ssyncadd.s32 $0xFFFFFFFF  }
0xa5: {  	s24 =	simm.s32 $execute0_lowered;
	[smem:$0x3FD2] =	sst s23  }
0xa6: {  	s5 =	sshll.u32 s24, $0x1;
	_ =	strace $0x80000046;
	[dreg:$0x1] =	wrdreg $0xFFFFFFFF  }
0xa7: {  	s25 =	simm.s32 $_size_execute0_lowered;
	s4 =	sadd.s32 s4, s5;
	[dreg:$0x0] =	wrdreg $0x0  }
0xa8: {  	s5 =	sshll.u32 s25, $0x1;
	[dreg:$0x2] =	wrdreg s4  }
0xa9: {  	[dreg:$0x3] =	wrdreg s5  }
0xaa: {  	[dreg:$0x4] =	wrdreg $0xC0  }
0xab: {  	_ =	task [dreg:s8], $0x5FFFF  }
0xac: {  	[dreg:$0x1] =	wrdreg $0xFFFFFFFF  }
0xad: {  	[dreg:$0x0] =	wrdreg $0x60  }
0xae: {  	[dreg:$0x2] =	wrdreg s0  }
0xaf: {  	[dreg:$0x3] =	wrdreg s17  }
0xb0: {  	[dreg:$0x4] =	wrdreg s2  }
0xb1: {  	[dreg:$0x5] =	wrdreg s3  }
0xb2: {  	[dreg:$0x6] =	wrdreg $0x9  }
0xb3: {  	_ =	task.clear_ibuf [dreg:s8], $0x7FFFF;
	_ =	strace $0x90000046  }
0xb4: {  	s26 =	simm.s32 $0x9;
	_ =	strace $0x80000048  }
0xb5: {  	_ =	swait.ge [sflag:s26], $0x1  }
0xb6: {  	[sflag:s26] =	ssyncadd.s32 $0xFFFFFFFF  }
0xb7: {  	_ =	strace $0x90000048  }
0xb8: {  	_ =	sfence  }
0xb9: {  	s28 =	sld [smem:$0x0];
	_ =	sdelay $0x1  }
0xba: {  	s29 =	srdreg.scid  }
0xbb: {  	s30 =	sshll.u32 s29, $0xD;
	s31 =	sshrl.u32 s29, $0x2  }
0xbc: {  	s1 =	sand.u32 $0x1, s29;
	s2 =	sand.u32 $0x4000, s30;
	s0 =	sadd.s32 s31, s28  }
0xbd: {  	s1 =	sor.u32 s2, s1;
	s0 =	sshll.u32 s0, $0x11  }
0xbe: {  	s0 =	sor.u32 s0, s1  }
0xbf: {  	s0 =	sadd.s32 $0x8F2B, s0  }
0xc0: {  	[sflag:s0] =	ssyncadd.remote.s32 $0x1  }
0xc1: {  	_ =	sfence.sel $0xFFFF  }
0xc2: {  	[dreg:$0x0] =	wrdreg $0xFFFFFFFF;
	(pc) =	sbr.abs _section_cstart, $3  }
0xc3: {  	[dreg:$0x1] =	wrdreg $0xFFFFFFFF  }
0xc4: {  	_ =	task.clear_ibuf [dreg:s8], $0x2FFFF;
	_ =	strace $0x9FFFFFFF  }
0xc5: {  	(tm) =	ssettm $0x7FFFFFFF  }
tec
execute0_lowered:
.L_overlay_start_1:
0x0: {  	(tag) =	ssettag $0x1  }
0x1: {  	s3 =	rddreg [dreg:$0x0]  }
0x2: {  	s4 =	rddreg [dreg:$0x1]  }
0x3: {  	s5 =	rddreg [dreg:$0x2]  }
0x4: {  	s2 =	rddreg [dreg:$0x3]  }
0x5: {  	s1 =	stileid.u32;
	s0 =	rddreg [dreg:$0x4];
	s6 =	simm.s32 $0x0  }
0x6: {  	s7 =	sand.u32 $0x7, s1;
	[smem:$0x7FF] =	sst s6;
	s26 =	sshrl.u32 s1, $0x3  }
0x7: {  	s8 =	sshll.u32 s7, $0x4;
	_ =	strace $0x80000047;
	s9 =	sshll.u32 s26, $0x7  }
0x8: {  	s7 =	sshll.u32 s7, $0x7;
	s3 =	sadd.s32 s3, s8;
	s8 =	sshll.u32 s26, $0xA  }
0x9: {  	[tilespmem:s6], [sflag:$0x1] =	stream.linear.gather [hbm4b:s3+s6], $0x80, $0x38;
	[tilespmem:$0x880] =	vst v63  }
0xa: {  	s9 =	sadd.s32 s4, s9;
	s4 =	simm.s32 $0x80;
	s3 =	sor.u32 s7, s8  }
0xb: {  	[tilespmem:s4], [sflag:$0x2] =	stream.linear.gather [hbm4b:s9+s6], $0x400, $0x38;
	[tilespmem:$0x880] =	vst v63  }
0xc: {  	s28 =	simm.s32 $0x480;
	s29 =	simm.s32 $0x1;
	s5 =	sadd.s32 s5, s3  }
0xd: {  	[tilespmem:s28], [sflag:$0x3] =	stream.linear.gather [hbm4b:s5+s6], $0x400, $0x38;
	[tilespmem:$0x880] =	vst v63  }
0xe: {  	_ =	swait.ge [sflag:s29], $0x80  }
0xf: {  	[sflag:s29] =	ssyncset.done $0x0  }
0x10: {  	s30 =	simm.s32 $0x2;
	[sflag:s29] =	ssyncadd.s32 $0xFFFFFF80  }
0x11: {  	_ =	swait.ge [sflag:s30], $0x400  }
0x12: {  	[sflag:s30] =	ssyncset.done $0x0  }
0x13: {  	s31 =	simm.s32 $0x3;
	[sflag:s30] =	ssyncadd.s32 $0xFFFFFC00  }
0x14: {  	_ =	swait.ge [sflag:s31], $0x400  }
0x15: {  	[sflag:s31] =	ssyncset.done $0x0  }
0x16: {  	s5 =	simm.s32 $0x0;
	[sflag:s31] =	ssyncadd.s32 $0xFFFFFC00  }
0x17: {  	v0 =	vld [tilespmem:s5+$0x0];
	_ =	sdelay $0x7  }
0x18: {  	v1 =	vld.idx.msk [tilespmem:v0+s4+$0x0], $0xffff  }
0x19: {  	v2 =	vadd.s32 $0x80, v0;
	_ =	sdelay $0x3  }
0x1a: {  	[tilespmem:s5+$0x480] =	vst.add.f32.msk $0xffff, v1  }
0x1b: {  	v1 =	vld.idx.msk [tilespmem:v2+s4+$0x0], $0xffff  }
0x1c: {  	v2 =	vadd.s32 $0x100, v0;
	_ =	sdelay $0x3  }
0x1d: {  	[tilespmem:s5+$0x500] =	vst.add.f32.msk $0xffff, v1  }
0x1e: {  	v1 =	vld.idx.msk [tilespmem:v2+s4+$0x0], $0xffff  }
0x1f: {  	v2 =	vadd.s32 $0x180, v0;
	_ =	sdelay $0x3  }
0x20: {  	[tilespmem:s5+$0x580] =	vst.add.f32.msk $0xffff, v1  }
0x21: {  	v1 =	vld.idx.msk [tilespmem:v2+s4+$0x0], $0xffff  }
0x22: {  	v2 =	vadd.s32 $0x200, v0;
	_ =	sdelay $0x3  }
0x23: {  	[tilespmem:s5+$0x600] =	vst.add.f32.msk $0xffff, v1  }
0x24: {  	v1 =	vld.idx.msk [tilespmem:v2+s4+$0x0], $0xffff  }
0x25: {  	v2 =	vadd.s32 $0x280, v0;
	_ =	sdelay $0x3  }
0x26: {  	[tilespmem:s5+$0x680] =	vst.add.f32.msk $0xffff, v1  }
0x27: {  	v1 =	vld.idx.msk [tilespmem:v2+s4+$0x0], $0xffff  }
0x28: {  	v2 =	vadd.s32 $0x300, v0;
	_ =	sdelay $0x3  }
0x29: {  	[tilespmem:s5+$0x700] =	vst.add.f32.msk $0xffff, v1  }
0x2a: {  	v1 =	vld.idx.msk [tilespmem:v2+s4+$0x0], $0xffff  }
0x2b: {  	v2 =	vadd.s32 $0x380, v0;
	_ =	sdelay $0x1  }
0x2c: {  	s7 =	simm.s32 $0x10  }
0x2d: {  	s6 =	simm.s32 $0x80;
	v0 =	vld [tilespmem:s7+$0x0]  }
.LBB2_1:
0x2e: {  	p0 =	sne.s32 s6, $0x1C0;
	[tilespmem:s5+$0x780] =	vst.add.f32.msk $0xffff, v1  }
0x2f: {  	v1 =	vld.idx.msk [tilespmem:v2+s4+$0x0], $0xffff;
	_ =	sdelay $0x5  }
0x30: {  	[tilespmem:s5+$0x800] =	vst.add.f32.msk $0xffff, v1;
	s5 =	smov.u32 s7  }
0x31: {  	v1 =	vld.idx.msk [tilespmem:v0+s4+$0x0], $0xffff;
	_ =	sdelay $0x1  }
0x32: {  	v2 =	vadd.s32 $0x80, v0;
	_ =	sdelay $0x3  }
0x33: {  	[tilespmem:s5+$0x480] =	vst.add.f32.msk $0xffff, v1  }
0x34: {  	v1 =	vld.idx.msk [tilespmem:v2+s4+$0x0], $0xffff;
	_ =	sdelay $0x1  }
0x35: {  	v2 =	vadd.s32 $0x100, v0;
	_ =	sdelay $0x3  }
0x36: {  	[tilespmem:s5+$0x500] =	vst.add.f32.msk $0xffff, v1  }
0x37: {  	v1 =	vld.idx.msk [tilespmem:v2+s4+$0x0], $0xffff;
	_ =	sdelay $0x1  }
0x38: {  	v2 =	vadd.s32 $0x180, v0;
	_ =	sdelay $0x3  }
0x39: {  	[tilespmem:s5+$0x580] =	vst.add.f32.msk $0xffff, v1  }
0x3a: {  	v1 =	vld.idx.msk [tilespmem:v2+s4+$0x0], $0xffff;
	_ =	sdelay $0x1  }
0x3b: {  	v2 =	vadd.s32 $0x200, v0;
	_ =	sdelay $0x3  }
0x3c: {  	[tilespmem:s5+$0x600] =	vst.add.f32.msk $0xffff, v1  }
0x3d: {  	v1 =	vld.idx.msk [tilespmem:v2+s4+$0x0], $0xffff;
	_ =	sdelay $0x1  }
0x3e: {  	v2 =	vadd.s32 $0x280, v0;
	_ =	sdelay $0x3  }
0x3f: {  	[tilespmem:s5+$0x680] =	vst.add.f32.msk $0xffff, v1  }
0x40: {  	v1 =	vld.idx.msk [tilespmem:v2+s4+$0x0], $0xffff;
	_ =	sdelay $0x1  }
0x41: {  	v2 =	vadd.s32 $0x300, v0;
	_ =	sdelay $0x3  }
0x42: {  	[tilespmem:s5+$0x700] =	vst.add.f32.msk $0xffff, v1  }
0x43: {  	v1 =	vld.idx.msk [tilespmem:v2+s4+$0x0], $0xffff  }
.Ltmp0:
0x44: {  	(pc) =	sbr.rel @p0 .LBB2_1-.Ltmp0, $3  }
0x45: {  	v2 =	vadd.s32 $0x380, v0;
	_ =	sdelay $0x1  }
0x46: {  	s7 =	sshra.s32 s6, $0x2  }
0x47: {  	s6 =	sadd.s32 $0x40, s6;
	v0 =	vld [tilespmem:s7+$0x0]  }
0x48: {  	_ =	sdelay $0x2  }
0x49: {  	[tilespmem:s5+$0x780] =	vst.add.f32.msk $0xffff, v1  }
0x4a: {  	v1 =	vld.idx.msk [tilespmem:v2+s4+$0x0], $0xffff;
	_ =	sdelay $0x4  }
0x4b: {  	[tilespmem:s5+$0x800] =	vst.add.f32.msk $0xffff, v1  }
0x4c: {  	v1 =	vld.idx.msk [tilespmem:v0+s4+$0x0], $0xffff  }
0x4d: {  	v57 =	vadd.s32 $0x80, v0;
	_ =	sdelay $0x3  }
0x4e: {  	[tilespmem:s7+$0x480] =	vst.add.f32.msk $0xffff, v1  }
0x4f: {  	v1 =	vld.idx.msk [tilespmem:v57+s4+$0x0], $0xffff  }
0x50: {  	v58 =	vadd.s32 $0x100, v0;
	_ =	sdelay $0x3  }
0x51: {  	[tilespmem:s7+$0x500] =	vst.add.f32.msk $0xffff, v1  }
0x52: {  	v1 =	vld.idx.msk [tilespmem:v58+s4+$0x0], $0xffff  }
0x53: {  	v59 =	vadd.s32 $0x180, v0;
	_ =	sdelay $0x3  }
0x54: {  	[tilespmem:s7+$0x580] =	vst.add.f32.msk $0xffff, v1  }
0x55: {  	v1 =	vld.idx.msk [tilespmem:v59+s4+$0x0], $0xffff  }
0x56: {  	v60 =	vadd.s32 $0x200, v0;
	_ =	sdelay $0x3  }
0x57: {  	[tilespmem:s7+$0x600] =	vst.add.f32.msk $0xffff, v1  }
0x58: {  	v1 =	vld.idx.msk [tilespmem:v60+s4+$0x0], $0xffff  }
0x59: {  	v61 =	vadd.s32 $0x280, v0;
	_ =	sdelay $0x3  }
0x5a: {  	[tilespmem:s7+$0x680] =	vst.add.f32.msk $0xffff, v1  }
0x5b: {  	v1 =	vld.idx.msk [tilespmem:v61+s4+$0x0], $0xffff  }
0x5c: {  	v62 =	vadd.s32 $0x300, v0;
	_ =	sdelay $0x3  }
0x5d: {  	[tilespmem:s7+$0x700] =	vst.add.f32.msk $0xffff, v1  }
0x5e: {  	v1 =	vld.idx.msk [tilespmem:v62+s4+$0x0], $0xffff  }
0x5f: {  	v63 =	vadd.s32 $0x380, v0;
	_ =	sdelay $0x3  }
0x60: {  	[tilespmem:s7+$0x780] =	vst.add.f32.msk $0xffff, v1  }
0x61: {  	v0 =	vld.idx.msk [tilespmem:v63+s4+$0x0], $0xffff;
	_ =	sdelay $0x3  }
0x62: {  	s2 =	sadd.s32 s2, s3  }
0x63: {  	s29 =	simm.s32 $0x0;
	s30 =	simm.s32 $0x480;
	s31 =	simm.s32 $0x4;
	[tilespmem:s7+$0x800] =	vst.add.f32.msk $0xffff, v0  }
0x64: {  	[hbm4b:s2+s29] =	stream.linear.scatter [tilespmem:s30], [sflag:$0x4], $0x400, $0x38;
	[tilespmem:$0x880] =	vst v63  }
0x65: {  	_ =	swait.ge [sflag:s31], $0x400  }
0x66: {  	[sflag:s31] =	ssyncset.done $0x0  }
0x67: {  	[sflag:s31] =	ssyncadd.s32 $0xFFFFFC00  }
0x68: {  	_ =	sfence.sel $0x180000  }
0x69: {  	[bflag:$0x0] =	sbarrier.arrive $0xFFFF  }
0x6a: {  	p0 =	sne.s32 s1, $0x0;
	_ =	strace $0x90000047  }
0x6b: {  	s0 =	sadd.s32 @!p0 $0x100000, s0;
	[bflag:$0x2] =	sbarrier.arrive $0xFFFF  }
0x6c: {  	[sflag:s0] =	ssyncadd.tile.s32 @!p0 $0x1;
	_ =	shalt  }
.Lfunc_end2:
_tile_overlayer_lowered:
.L_overlay_start_2:
0x6d: {  	(tag) =	ssettag $0x2  }
0x6e: {  	s0 =	rddreg [dreg:$0x0];
	s2 =	stileid.u32  }
0x6f: {  	s1 =	rddreg [dreg:$0x1];
	p0 =	sne.s32 s2, $0x0  }
0x70: {  	s3 =	rddreg [dreg:$0x2];
	[bflag:$0x3] =	sbarrier.arrive $0xFFFF;
	s2 =	simm.s32 @!p0 $0x1C04  }
0x71: {  	[timem:s3], [sflag:s2] =	dma.local @!p0 [hbm:s0], s1  }
0x72: {  	s0 =	simm.s32 @!p0 $0x4  }
0x73: {  	_ =	swait.ge @!p0 [sflag:s0], s1  }
0x74: {  	s1 =	ssub.s32 @!p0 $0x0, s1;
	[sflag:s0] =	ssyncset.done @!p0 $0x0  }
0x75: {  	[sflag:s0] =	ssyncadd.s32 @!p0 s1  }
0x76: {  	[bflag:$0x3] =	sbarrier.arrive $0xFFFF  }
0x77: {  	_ =	shalt  }

</sc_bundles>
